<compile_context>
chip_gen: v7x
topology: tpu7x:2x2x1
jax: 0.10.2.dev20260603
libtpu: 0.0.44.dev20260713+nightly
codegen_flags: <defaults>
</compile_context>

<pallas_src>
import functools

import jax
import jax.numpy as jnp
from jax import lax
from jax.experimental import pallas as pl
from jax.experimental.pallas import tpu as pltpu
from jax.experimental.pallas import tpu_sc as plsc

NUM_GRAPHS = 512
D_FEAT = 128
N_NODES = 100000

NUM_WORKERS = 32
CHUNK = 128
CHUNKS_PER_W = 26
ROWS_PER_W = CHUNK * CHUNKS_PER_W
TAIL = N_NODES % CHUNK
TAIL_W_IDX = N_NODES - (N_NODES // ROWS_PER_W) * ROWS_PER_W
NSLOT = 6
LOOKBACK = NSLOT - 1


def _sc_unpool(x_hbm, idx_hbm, out_hbm, idx_v, buf_v, x_sh, gsem, ssem):
    c = lax.axis_index("c")
    s = lax.axis_index("s")
    wid = s * 2 + c
    base = wid * ROWS_PER_W

    @pl.when(s == 0)
    def _():
        pltpu.sync_copy(x_hbm, x_sh)

    @pl.when(base + ROWS_PER_W <= N_NODES)
    def _():
        pltpu.sync_copy(idx_hbm.at[pl.ds(base, ROWS_PER_W)], idx_v)

    @pl.when((base < N_NODES) & (base + ROWS_PER_W > N_NODES))
    def _():
        pltpu.sync_copy(idx_hbm.at[pl.ds(base, TAIL_W_IDX)],
                        idx_v.at[pl.ds(0, TAIL_W_IDX)])

    plsc.subcore_barrier()

    def row_base(j):
        return base + j * CHUNK

    def slot(j):
        return lax.rem(j, NSLOT)

    def gather(j):
        p = slot(j)
        return pltpu.make_async_copy(
            x_sh.at[idx_v.at[pl.ds(j * CHUNK, CHUNK)]],
            buf_v.at[p], gsem.at[p])

    def gather_tail(j):
        p = slot(j)
        return pltpu.make_async_copy(
            x_sh.at[idx_v.at[pl.ds(j * CHUNK, TAIL)]],
            buf_v.at[p].at[pl.ds(0, TAIL)], gsem.at[p])

    def scatter(j):
        p = slot(j)
        return pltpu.make_async_copy(
            buf_v.at[p], out_hbm.at[pl.ds(row_base(j), CHUNK)], ssem.at[p])

    def scatter_tail(j):
        p = slot(j)
        return pltpu.make_async_copy(
            buf_v.at[p].at[pl.ds(0, TAIL)],
            out_hbm.at[pl.ds(row_base(j), TAIL)], ssem.at[p])

    def full_chunk(j):
        return row_base(j) + CHUNK <= N_NODES

    def tail_chunk(j):
        r = row_base(j)
        return (r < N_NODES) & (r + CHUNK > N_NODES)

    def start_gather(j):
        @pl.when(full_chunk(j))
        def _():
            gather(j).start()

        @pl.when(tail_chunk(j))
        def _():
            gather_tail(j).start()

    def do_scatter(j):
        @pl.when(full_chunk(j))
        def _():
            gather(j).wait()
            scatter(j).start()

        @pl.when(tail_chunk(j))
        def _():
            gather_tail(j).wait()
            scatter_tail(j).start()

    def wait_scatter(j):
        @pl.when(full_chunk(j))
        def _():
            scatter(j).wait()

        @pl.when(tail_chunk(j))
        def _():
            scatter_tail(j).wait()

    def body(j, carry):
        @pl.when(j < CHUNKS_PER_W)
        def _():
            @pl.when(j >= NSLOT)
            def _():
                wait_scatter(j - NSLOT)

            start_gather(j)

        @pl.when(j >= LOOKBACK)
        def _():
            do_scatter(j - LOOKBACK)

        return carry

    lax.fori_loop(0, CHUNKS_PER_W + LOOKBACK, body, 0)

    def drain(j, carry):
        wait_scatter(j)
        return carry

    lax.fori_loop(CHUNKS_PER_W - NSLOT, CHUNKS_PER_W, drain, 0)


@functools.partial(jax.jit, static_argnames=())
def _run(X, idx):
    kern = pl.kernel(
        _sc_unpool,
        out_type=jax.ShapeDtypeStruct((N_NODES, D_FEAT), jnp.float32),
        mesh=plsc.VectorSubcoreMesh(core_axis_name="c", subcore_axis_name="s"),
        scratch_types=[
            pltpu.VMEM((ROWS_PER_W,), jnp.int32),
            pltpu.VMEM((NSLOT, CHUNK, D_FEAT), jnp.float32),
            pltpu.VMEM_SHARED((NUM_GRAPHS, D_FEAT), jnp.float32),
            pltpu.SemaphoreType.DMA((NSLOT,)),
            pltpu.SemaphoreType.DMA((NSLOT,)),
        ],
    )
    return kern(X, idx)


def kernel(X, batch):
    return _run(X, batch.astype(jnp.int32))

# --- scband reference (transcript-rebuilt; emitter-appended) ---
"""Pipeline reference for scband-op-node-un-pooling-23184233463943 (READ-ONLY COPY).

The authoritative reference and input builder live on the scoring server;
editing this copy changes nothing except your own understanding.
"""

import jax, jax.numpy as jnp
import numpy as np

NUM_GRAPHS = 512
D_FEAT = 128
N_NODES = 100000

def setup_inputs(seed: int = 0) -> dict:
    key = jax.random.key(seed)
    k1, k2 = jax.random.split(key)
    X = jax.random.normal(k1, (NUM_GRAPHS, D_FEAT), dtype=jnp.float32)
    batch = jnp.sort(jax.random.randint(k2, (N_NODES,), 0, NUM_GRAPHS, dtype=jnp.int64))
    return {"X": X, "batch": batch}

def reference(X, batch):
    # mode == 'S': unpool graph-level reps to node-level reps via gather
    ret = jnp.take(X, batch, axis=0)
    return ret

if __name__ == "__main__":
    import jax
    _d = setup_inputs()
    print(jax.jit(kernel)(*tuple(_d.values())))

</pallas_src>

<mosaic_0001>
#map = affine_map<(d0, d1) -> (0, 0)>
#map1 = affine_map<(d0, d1) -> (0)>
module attributes {stable_mosaic.version = 14 : i64} {
  func.func @_sc_unpool(%arg0: i32, %arg1: i32, %arg2: memref<512x128xf32, #tpu.memory_space<hbm>>, %arg3: memref<100000xi32, #tpu.memory_space<hbm>>, %arg4: memref<100000x128xf32, #tpu.memory_space<hbm>>, %arg5: memref<3328xi32, #tpu.memory_space<vmem>>, %arg6: memref<6x128x128xf32, #tpu.memory_space<vmem>>, %arg7: memref<512x128xf32, #tpu.memory_space<vmem_shared>>, %arg8: memref<6x!tpu.dma_semaphore, #tpu.memory_space<semaphore_mem>>, %arg9: memref<6x!tpu.dma_semaphore, #tpu.memory_space<semaphore_mem>>) attributes {dimension_semantics = [#tpu.dimension_semantics<core_parallel>, #tpu.dimension_semantics<subcore_parallel>], iteration_bounds = array<i64: 2, 16>, scalar_prefetch = 0 : i64, scratch_operands = 5 : i64, tpu.core_type = #tpu.core_type<sc_vector_subcore>, window_params = [{transform_indices = #map}, {transform_indices = #map1}, {transform_indices = #map}]} {
    %mul3A = arith.constant 2 : i32
    %mul3A_0 = arith.muli %arg1, %mul3A : i32
    %add3A = arith.addi %mul3A_0, %arg0 : i32
    %mul3A_1 = arith.constant 3328 : i32
    %mul3A_2 = arith.muli %add3A, %mul3A_1 : i32
    %eq3A = arith.constant 0 : i32
    %eq3A_3 = arith.cmpi eq, %arg1, %eq3A : i32
    %convert_element_type3A = arith.extui %eq3A_3 : i1 to i32
    %cond3A = arith.constant 0 : i32
    %cond3A_4 = arith.cmpi ne, %convert_element_type3A, %cond3A : i32
    scf.if %cond3A_4 {
      "tpu.region"() ({
        %run_scoped3A = tpu.sem_alloc : memref<!tpu.dma_semaphore, #tpu.memory_space<semaphore_mem>>
        tpu.enqueue_dma source(%arg2 : memref<512x128xf32, #tpu.memory_space<hbm>>) target(%arg7 : memref<512x128xf32, #tpu.memory_space<vmem_shared>>) target_semaphore(%run_scoped3A : memref<!tpu.dma_semaphore, #tpu.memory_space<semaphore_mem>>)
        tpu.wait_dma2 semaphore(%run_scoped3A : memref<!tpu.dma_semaphore, #tpu.memory_space<semaphore_mem>>) src(%arg2 : memref<512x128xf32, #tpu.memory_space<hbm>>) dst(%arg7 : memref<512x128xf32, #tpu.memory_space<vmem_shared>>)
        tpu.yield
      }) : () -> ()
    } else {
    }
    %add3A_5 = arith.constant 3328 : i32
    %add3A_6 = arith.addi %mul3A_2, %add3A_5 : i32
    %le3A = arith.constant 100000 : i32
    %le3A_7 = arith.cmpi sle, %add3A_6, %le3A : i32
    %convert_element_type3A_8 = arith.extui %le3A_7 : i1 to i32
    %cond3A_9 = arith.constant 0 : i32
    %cond3A_10 = arith.cmpi ne, %convert_element_type3A_8, %cond3A_9 : i32
    scf.if %cond3A_10 {
      "tpu.region"() ({
        %run_scoped3A = tpu.sem_alloc : memref<!tpu.dma_semaphore, #tpu.memory_space<semaphore_mem>>
        %dma_start3A = tpu.memref_slice %arg3[%mul3A_2] : memref<100000xi32, #tpu.memory_space<hbm>> -> memref<3328xi32, #tpu.memory_space<hbm>>
        %dma_start3A_29 = tpu.memref_slice %arg3[%mul3A_2] : memref<100000xi32, #tpu.memory_space<hbm>> -> memref<3328xi32, #tpu.memory_space<hbm>>
        tpu.enqueue_dma source(%dma_start3A_29 : memref<3328xi32, #tpu.memory_space<hbm>>) target(%arg5 : memref<3328xi32, #tpu.memory_space<vmem>>) target_semaphore(%run_scoped3A : memref<!tpu.dma_semaphore, #tpu.memory_space<semaphore_mem>>)
        %dma_wait3A = tpu.memref_slice %arg3[%mul3A_2] : memref<100000xi32, #tpu.memory_space<hbm>> -> memref<3328xi32, #tpu.memory_space<hbm>>
        %dma_wait3A_30 = tpu.memref_slice %arg3[%mul3A_2] : memref<100000xi32, #tpu.memory_space<hbm>> -> memref<3328xi32, #tpu.memory_space<hbm>>
        tpu.wait_dma2 semaphore(%run_scoped3A : memref<!tpu.dma_semaphore, #tpu.memory_space<semaphore_mem>>) src(%dma_wait3A_30 : memref<3328xi32, #tpu.memory_space<hbm>>) dst(%arg5 : memref<3328xi32, #tpu.memory_space<vmem>>)
        tpu.yield
      }) : () -> ()
    } else {
    }
    %lt3A = arith.constant 100000 : i32
    %lt3A_11 = arith.cmpi slt, %mul3A_2, %lt3A : i32
    %add3A_12 = arith.constant 3328 : i32
    %add3A_13 = arith.addi %mul3A_2, %add3A_12 : i32
    %gt3A = arith.constant 100000 : i32
    %gt3A_14 = arith.cmpi sgt, %add3A_13, %gt3A : i32
    %and3A = arith.andi %lt3A_11, %gt3A_14 : i1
    %convert_element_type3A_15 = arith.extui %and3A : i1 to i32
    %cond3A_16 = arith.constant 0 : i32
    %cond3A_17 = arith.cmpi ne, %convert_element_type3A_15, %cond3A_16 : i32
    scf.if %cond3A_17 {
      "tpu.region"() ({
        %run_scoped3A = tpu.sem_alloc : memref<!tpu.dma_semaphore, #tpu.memory_space<semaphore_mem>>
        %dma_start3A = arith.constant 0 : i32
        %dma_start3A_29 = tpu.memref_slice %arg5[%dma_start3A] : memref<3328xi32, #tpu.memory_space<vmem>> -> memref<160xi32, #tpu.memory_space<vmem>>
        %dma_start3A_30 = tpu.memref_slice %arg3[%mul3A_2] : memref<100000xi32, #tpu.memory_space<hbm>> -> memref<160xi32, #tpu.memory_space<hbm>>
        %dma_start3A_31 = arith.constant 0 : i32
        %dma_start3A_32 = tpu.memref_slice %arg5[%dma_start3A_31] : memref<3328xi32, #tpu.memory_space<vmem>> -> memref<160xi32, #tpu.memory_space<vmem>>
        %dma_start3A_33 = tpu.memref_slice %arg3[%mul3A_2] : memref<100000xi32, #tpu.memory_space<hbm>> -> memref<160xi32, #tpu.memory_space<hbm>>
        tpu.enqueue_dma source(%dma_start3A_33 : memref<160xi32, #tpu.memory_space<hbm>>) target(%dma_start3A_32 : memref<160xi32, #tpu.memory_space<vmem>>) target_semaphore(%run_scoped3A : memref<!tpu.dma_semaphore, #tpu.memory_space<semaphore_mem>>)
        %dma_wait3A = arith.constant 0 : i32
        %dma_wait3A_34 = tpu.memref_slice %arg5[%dma_wait3A] : memref<3328xi32, #tpu.memory_space<vmem>> -> memref<160xi32, #tpu.memory_space<vmem>>
        %dma_wait3A_35 = tpu.memref_slice %arg3[%mul3A_2] : memref<100000xi32, #tpu.memory_space<hbm>> -> memref<160xi32, #tpu.memory_space<hbm>>
        %dma_wait3A_36 = arith.constant 0 : i32
        %dma_wait3A_37 = tpu.memref_slice %arg5[%dma_wait3A_36] : memref<3328xi32, #tpu.memory_space<vmem>> -> memref<160xi32, #tpu.memory_space<vmem>>
        %dma_wait3A_38 = tpu.memref_slice %arg3[%mul3A_2] : memref<100000xi32, #tpu.memory_space<hbm>> -> memref<160xi32, #tpu.memory_space<hbm>>
        tpu.wait_dma2 semaphore(%run_scoped3A : memref<!tpu.dma_semaphore, #tpu.memory_space<semaphore_mem>>) src(%dma_wait3A_38 : memref<160xi32, #tpu.memory_space<hbm>>) dst(%dma_wait3A_37 : memref<160xi32, #tpu.memory_space<vmem>>)
        tpu.yield
      }) : () -> ()
    } else {
    }
    %barrier3A = arith.constant 0 : index
    tpu.barrier barrier_id(%barrier3A)
    %scan3A = arith.constant 0 : i32
    %scan3A_18 = arith.constant 0 : i32
    %scan3A_19 = arith.constant 31 : i32
    %scan3A_20 = arith.addi %scan3A_18, %scan3A_19 : i32
    %scan3A_21 = arith.constant 1 : i32
    scf.for %scan3A_29 = %scan3A_18 to %scan3A_20 step %scan3A_21  : i32 {
      %lt3A_30 = arith.constant 26 : i32
      %lt3A_31 = arith.cmpi slt, %scan3A_29, %lt3A_30 : i32
      %convert_element_type3A_32 = arith.extui %lt3A_31 : i1 to i32
      %cond3A_33 = arith.constant 0 : i32
      %cond3A_34 = arith.cmpi ne, %convert_element_type3A_32, %cond3A_33 : i32
      scf.if %cond3A_34 {
        %ge3A_39 = arith.constant 6 : i32
        %ge3A_40 = arith.cmpi sge, %scan3A_29, %ge3A_39 : i32
        %convert_element_type3A_41 = arith.extui %ge3A_40 : i1 to i32
        %cond3A_42 = arith.constant 0 : i32
        %cond3A_43 = arith.cmpi ne, %convert_element_type3A_41, %cond3A_42 : i32
        scf.if %cond3A_43 {
          %sub3A = arith.constant 6 : i32
          %sub3A_67 = arith.subi %scan3A_29, %sub3A : i32
          %mul3A_68 = arith.constant 128 : i32
          %mul3A_69 = arith.muli %sub3A_67, %mul3A_68 : i32
          %add3A_70 = arith.addi %mul3A_2, %mul3A_69 : i32
          %add3A_71 = arith.constant 128 : i32
          %add3A_72 = arith.addi %add3A_70, %add3A_71 : i32
          %le3A_73 = arith.constant 100000 : i32
          %le3A_74 = arith.cmpi sle, %add3A_72, %le3A_73 : i32
          %convert_element_type3A_75 = arith.extui %le3A_74 : i1 to i32
          %cond3A_76 = arith.constant 0 : i32
          %cond3A_77 = arith.cmpi ne, %convert_element_type3A_75, %cond3A_76 : i32
          scf.if %cond3A_77 {
            %rem3A = arith.constant 6 : i32
            %rem3A_91 = arith.remsi %sub3A_67, %rem3A : i32
            %mul3A_92 = arith.constant 128 : i32
            %mul3A_93 = arith.muli %sub3A_67, %mul3A_92 : i32
            %add3A_94 = arith.addi %mul3A_2, %mul3A_93 : i32
            %dma_wait3A = arith.constant 0 : i32
            %dma_wait3A_95 = arith.constant 0 : i32
            %dma_wait3A_96 = tpu.memref_slice %arg6[%rem3A_91, %dma_wait3A, %dma_wait3A_95] : memref<6x128x128xf32, #tpu.memory_space<vmem>> -> memref<1x128x128xf32, #tpu.memory_space<vmem>>
            %dma_wait3A_97 = tpu.memref_squeeze %dma_wait3A_96 : memref<1x128x128xf32, #tpu.memory_space<vmem>> -> memref<128x128xf32, #tpu.memory_space<vmem>>
            %dma_wait3A_98 = arith.constant 0 : i32
            %dma_wait3A_99 = tpu.memref_slice %arg4[%add3A_94, %dma_wait3A_98] : memref<100000x128xf32, #tpu.memory_space<hbm>> -> memref<128x128xf32, #tpu.memory_space<hbm>>
            %dma_wait3A_100 = tpu.memref_slice %arg9[%rem3A_91] : memref<6x!tpu.dma_semaphore, #tpu.memory_space<semaphore_mem>> -> memref<1x!tpu.dma_semaphore, #tpu.memory_space<semaphore_mem>>
            %dma_wait3A_101 = tpu.memref_squeeze %dma_wait3A_100 : memref<1x!tpu.dma_semaphore, #tpu.memory_space<semaphore_mem>> -> memref<!tpu.dma_semaphore, #tpu.memory_space<semaphore_mem>>
            %dma_wait3A_102 = arith.constant 0 : i32
            %dma_wait3A_103 = tpu.memref_slice %arg4[%add3A_94, %dma_wait3A_102] : memref<100000x128xf32, #tpu.memory_space<hbm>> -> memref<128x128xf32, #tpu.memory_space<hbm>>
            %dma_wait3A_104 = arith.constant 0 : i32
            %dma_wait3A_105 = arith.constant 0 : i32
            %dma_wait3A_106 = tpu.memref_slice %arg6[%rem3A_91, %dma_wait3A_104, %dma_wait3A_105] : memref<6x128x128xf32, #tpu.memory_space<vmem>> -> memref<1x128x128xf32, #tpu.memory_space<vmem>>
            %dma_wait3A_107 = tpu.memref_squeeze %dma_wait3A_106 : memref<1x128x128xf32, #tpu.memory_space<vmem>> -> memref<128x128xf32, #tpu.memory_space<vmem>>
            tpu.wait_dma2 semaphore(%dma_wait3A_101 : memref<!tpu.dma_semaphore, #tpu.memory_space<semaphore_mem>>) src(%dma_wait3A_107 : memref<128x128xf32, #tpu.memory_space<vmem>>) dst(%dma_wait3A_103 : memref<128x128xf32, #tpu.memory_space<hbm>>)
          } else {
          }
          %mul3A_78 = arith.constant 128 : i32
          %mul3A_79 = arith.muli %sub3A_67, %mul3A_78 : i32
          %add3A_80 = arith.addi %mul3A_2, %mul3A_79 : i32
          %lt3A_81 = arith.constant 100000 : i32
          %lt3A_82 = arith.cmpi slt, %add3A_80, %lt3A_81 : i32
          %add3A_83 = arith.constant 128 : i32
          %add3A_84 = arith.addi %add3A_80, %add3A_83 : i32
          %gt3A_85 = arith.constant 100000 : i32
          %gt3A_86 = arith.cmpi sgt, %add3A_84, %gt3A_85 : i32
          %and3A_87 = arith.andi %lt3A_82, %gt3A_86 : i1
          %convert_element_type3A_88 = arith.extui %and3A_87 : i1 to i32
          %cond3A_89 = arith.constant 0 : i32
          %cond3A_90 = arith.cmpi ne, %convert_element_type3A_88, %cond3A_89 : i32
          scf.if %cond3A_90 {
            %rem3A = arith.constant 6 : i32
            %rem3A_91 = arith.remsi %sub3A_67, %rem3A : i32
            %mul3A_92 = arith.constant 128 : i32
            %mul3A_93 = arith.muli %sub3A_67, %mul3A_92 : i32
            %add3A_94 = arith.addi %mul3A_2, %mul3A_93 : i32
            %dma_wait3A = arith.constant 0 : i32
            %dma_wait3A_95 = arith.constant 0 : i32
            %dma_wait3A_96 = tpu.memref_slice %arg6[%rem3A_91, %dma_wait3A, %dma_wait3A_95] : memref<6x128x128xf32, #tpu.memory_space<vmem>> -> memref<1x128x128xf32, #tpu.memory_space<vmem>>
            %dma_wait3A_97 = tpu.memref_squeeze %dma_wait3A_96 : memref<1x128x128xf32, #tpu.memory_space<vmem>> -> memref<128x128xf32, #tpu.memory_space<vmem>>
            %dma_wait3A_98 = arith.constant 0 : i32
            %dma_wait3A_99 = arith.constant 0 : i32
            %dma_wait3A_100 = tpu.memref_slice %dma_wait3A_97[%dma_wait3A_98, %dma_wait3A_99] : memref<128x128xf32, #tpu.memory_space<vmem>> -> memref<32x128xf32, #tpu.memory_space<vmem>>
            %dma_wait3A_101 = arith.constant 0 : i32
            %dma_wait3A_102 = tpu.memref_slice %arg4[%add3A_94, %dma_wait3A_101] : memref<100000x128xf32, #tpu.memory_space<hbm>> -> memref<32x128xf32, #tpu.memory_space<hbm>>
            %dma_wait3A_103 = tpu.memref_slice %arg9[%rem3A_91] : memref<6x!tpu.dma_semaphore, #tpu.memory_space<semaphore_mem>> -> memref<1x!tpu.dma_semaphore, #tpu.memory_space<semaphore_mem>>
            %dma_wait3A_104 = tpu.memref_squeeze %dma_wait3A_103 : memref<1x!tpu.dma_semaphore, #tpu.memory_space<semaphore_mem>> -> memref<!tpu.dma_semaphore, #tpu.memory_space<semaphore_mem>>
            %dma_wait3A_105 = arith.constant 0 : i32
            %dma_wait3A_106 = tpu.memref_slice %arg4[%add3A_94, %dma_wait3A_105] : memref<100000x128xf32, #tpu.memory_space<hbm>> -> memref<32x128xf32, #tpu.memory_space<hbm>>
            %dma_wait3A_107 = arith.constant 0 : i32
            %dma_wait3A_108 = arith.constant 0 : i32
            %dma_wait3A_109 = tpu.memref_slice %arg6[%rem3A_91, %dma_wait3A_107, %dma_wait3A_108] : memref<6x128x128xf32, #tpu.memory_space<vmem>> -> memref<1x128x128xf32, #tpu.memory_space<vmem>>
            %dma_wait3A_110 = tpu.memref_squeeze %dma_wait3A_109 : memref<1x128x128xf32, #tpu.memory_space<vmem>> -> memref<128x128xf32, #tpu.memory_space<vmem>>
            %dma_wait3A_111 = arith.constant 0 : i32
            %dma_wait3A_112 = arith.constant 0 : i32
            %dma_wait3A_113 = tpu.memref_slice %dma_wait3A_110[%dma_wait3A_111, %dma_wait3A_112] : memref<128x128xf32, #tpu.memory_space<vmem>> -> memref<32x128xf32, #tpu.memory_space<vmem>>
            tpu.wait_dma2 semaphore(%dma_wait3A_104 : memref<!tpu.dma_semaphore, #tpu.memory_space<semaphore_mem>>) src(%dma_wait3A_113 : memref<32x128xf32, #tpu.memory_space<vmem>>) dst(%dma_wait3A_106 : memref<32x128xf32, #tpu.memory_space<hbm>>)
          } else {
          }
        } else {
        }
        %mul3A_44 = arith.constant 128 : i32
        %mul3A_45 = arith.muli %scan3A_29, %mul3A_44 : i32
        %add3A_46 = arith.addi %mul3A_2, %mul3A_45 : i32
        %add3A_47 = arith.constant 128 : i32
        %add3A_48 = arith.addi %add3A_46, %add3A_47 : i32
        %le3A_49 = arith.constant 100000 : i32
        %le3A_50 = arith.cmpi sle, %add3A_48, %le3A_49 : i32
        %convert_element_type3A_51 = arith.extui %le3A_50 : i1 to i32
        %cond3A_52 = arith.constant 0 : i32
        %cond3A_53 = arith.cmpi ne, %convert_element_type3A_51, %cond3A_52 : i32
        scf.if %cond3A_53 {
          %rem3A = arith.constant 6 : i32
          %rem3A_67 = arith.remsi %scan3A_29, %rem3A : i32
          %mul3A_68 = arith.constant 128 : i32
          %mul3A_69 = arith.muli %scan3A_29, %mul3A_68 : i32
          %dma_start3A = arith.constant 0 : i32
          %dma_start3A_70 = arith.constant 0 : i32
          %dma_start3A_71 = tpu.memref_slice %arg6[%rem3A_67, %dma_start3A, %dma_start3A_70] : memref<6x128x128xf32, #tpu.memory_space<vmem>> -> memref<1x128x128xf32, #tpu.memory_space<vmem>>
          %dma_start3A_72 = tpu.memref_squeeze %dma_start3A_71 : memref<1x128x128xf32, #tpu.memory_space<vmem>> -> memref<128x128xf32, #tpu.memory_space<vmem>>
          %dma_start3A_73 = tpu.memref_slice %arg5[%mul3A_69] : memref<3328xi32, #tpu.memory_space<vmem>> -> memref<128xi32, #tpu.memory_space<vmem>>
          %dma_start3A_74 = arith.constant 0 : i32
          %dma_start3A_75 = arith.constant 0 : i32
          %dma_start3A_76 = tpu.memref_slice %arg7[%dma_start3A_74, %dma_start3A_75] : memref<512x128xf32, #tpu.memory_space<vmem_shared>> -> memref<512x128xf32, #tpu.memory_space<vmem_shared>>
          %dma_start3A_77 = tpu.memref_slice %arg8[%rem3A_67] : memref<6x!tpu.dma_semaphore, #tpu.memory_space<semaphore_mem>> -> memref<1x!tpu.dma_semaphore, #tpu.memory_space<semaphore_mem>>
          %dma_start3A_78 = tpu.memref_squeeze %dma_start3A_77 : memref<1x!tpu.dma_semaphore, #tpu.memory_space<semaphore_mem>> -> memref<!tpu.dma_semaphore, #tpu.memory_space<semaphore_mem>>
          tpu.enqueue_indirect_dma source(%dma_start3A_76 : memref<512x128xf32, #tpu.memory_space<vmem_shared>>) target(%dma_start3A_72 : memref<128x128xf32, #tpu.memory_space<vmem>>) offsets(%dma_start3A_73 : memref<128xi32, #tpu.memory_space<vmem>>) semaphore(%dma_start3A_78 : memref<!tpu.dma_semaphore, #tpu.memory_space<semaphore_mem>>)
        } else {
        }
        %mul3A_54 = arith.constant 128 : i32
        %mul3A_55 = arith.muli %scan3A_29, %mul3A_54 : i32
        %add3A_56 = arith.addi %mul3A_2, %mul3A_55 : i32
        %lt3A_57 = arith.constant 100000 : i32
        %lt3A_58 = arith.cmpi slt, %add3A_56, %lt3A_57 : i32
        %add3A_59 = arith.constant 128 : i32
        %add3A_60 = arith.addi %add3A_56, %add3A_59 : i32
        %gt3A_61 = arith.constant 100000 : i32
        %gt3A_62 = arith.cmpi sgt, %add3A_60, %gt3A_61 : i32
        %and3A_63 = arith.andi %lt3A_58, %gt3A_62 : i1
        %convert_element_type3A_64 = arith.extui %and3A_63 : i1 to i32
        %cond3A_65 = arith.constant 0 : i32
        %cond3A_66 = arith.cmpi ne, %convert_element_type3A_64, %cond3A_65 : i32
        scf.if %cond3A_66 {
          %rem3A = arith.constant 6 : i32
          %rem3A_67 = arith.remsi %scan3A_29, %rem3A : i32
          %mul3A_68 = arith.constant 128 : i32
          %mul3A_69 = arith.muli %scan3A_29, %mul3A_68 : i32
          %dma_start3A = arith.constant 0 : i32
          %dma_start3A_70 = arith.constant 0 : i32
          %dma_start3A_71 = tpu.memref_slice %arg6[%rem3A_67, %dma_start3A, %dma_start3A_70] : memref<6x128x128xf32, #tpu.memory_space<vmem>> -> memref<1x128x128xf32, #tpu.memory_space<vmem>>
          %dma_start3A_72 = tpu.memref_squeeze %dma_start3A_71 : memref<1x128x128xf32, #tpu.memory_space<vmem>> -> memref<128x128xf32, #tpu.memory_space<vmem>>
          %dma_start3A_73 = arith.constant 0 : i32
          %dma_start3A_74 = arith.constant 0 : i32
          %dma_start3A_75 = tpu.memref_slice %dma_start3A_72[%dma_start3A_73, %dma_start3A_74] : memref<128x128xf32, #tpu.memory_space<vmem>> -> memref<32x128xf32, #tpu.memory_space<vmem>>
          %dma_start3A_76 = tpu.memref_slice %arg5[%mul3A_69] : memref<3328xi32, #tpu.memory_space<vmem>> -> memref<32xi32, #tpu.memory_space<vmem>>
          %dma_start3A_77 = arith.constant 0 : i32
          %dma_start3A_78 = arith.constant 0 : i32
          %dma_start3A_79 = tpu.memref_slice %arg7[%dma_start3A_77, %dma_start3A_78] : memref<512x128xf32, #tpu.memory_space<vmem_shared>> -> memref<512x128xf32, #tpu.memory_space<vmem_shared>>
          %dma_start3A_80 = tpu.memref_slice %arg8[%rem3A_67] : memref<6x!tpu.dma_semaphore, #tpu.memory_space<semaphore_mem>> -> memref<1x!tpu.dma_semaphore, #tpu.memory_space<semaphore_mem>>
          %dma_start3A_81 = tpu.memref_squeeze %dma_start3A_80 : memref<1x!tpu.dma_semaphore, #tpu.memory_space<semaphore_mem>> -> memref<!tpu.dma_semaphore, #tpu.memory_space<semaphore_mem>>
          tpu.enqueue_indirect_dma source(%dma_start3A_79 : memref<512x128xf32, #tpu.memory_space<vmem_shared>>) target(%dma_start3A_75 : memref<32x128xf32, #tpu.memory_space<vmem>>) offsets(%dma_start3A_76 : memref<32xi32, #tpu.memory_space<vmem>>) semaphore(%dma_start3A_81 : memref<!tpu.dma_semaphore, #tpu.memory_space<semaphore_mem>>)
        } else {
        }
      } else {
      }
      %ge3A = arith.constant 5 : i32
      %ge3A_35 = arith.cmpi sge, %scan3A_29, %ge3A : i32
      %convert_element_type3A_36 = arith.extui %ge3A_35 : i1 to i32
      %cond3A_37 = arith.constant 0 : i32
      %cond3A_38 = arith.cmpi ne, %convert_element_type3A_36, %cond3A_37 : i32
      scf.if %cond3A_38 {
        %sub3A = arith.constant 5 : i32
        %sub3A_39 = arith.subi %scan3A_29, %sub3A : i32
        %mul3A_40 = arith.constant 128 : i32
        %mul3A_41 = arith.muli %sub3A_39, %mul3A_40 : i32
        %add3A_42 = arith.addi %mul3A_2, %mul3A_41 : i32
        %add3A_43 = arith.constant 128 : i32
        %add3A_44 = arith.addi %add3A_42, %add3A_43 : i32
        %le3A_45 = arith.constant 100000 : i32
        %le3A_46 = arith.cmpi sle, %add3A_44, %le3A_45 : i32
        %convert_element_type3A_47 = arith.extui %le3A_46 : i1 to i32
        %cond3A_48 = arith.constant 0 : i32
        %cond3A_49 = arith.cmpi ne, %convert_element_type3A_47, %cond3A_48 : i32
        scf.if %cond3A_49 {
          %rem3A = arith.constant 6 : i32
          %rem3A_63 = arith.remsi %sub3A_39, %rem3A : i32
          %mul3A_64 = arith.constant 128 : i32
          %mul3A_65 = arith.muli %sub3A_39, %mul3A_64 : i32
          %dma_wait3A = arith.constant 0 : i32
          %dma_wait3A_66 = arith.constant 0 : i32
          %dma_wait3A_67 = tpu.memref_slice %arg6[%rem3A_63, %dma_wait3A, %dma_wait3A_66] : memref<6x128x128xf32, #tpu.memory_space<vmem>> -> memref<1x128x128xf32, #tpu.memory_space<vmem>>
          %dma_wait3A_68 = tpu.memref_squeeze %dma_wait3A_67 : memref<1x128x128xf32, #tpu.memory_space<vmem>> -> memref<128x128xf32, #tpu.memory_space<vmem>>
          %dma_wait3A_69 = tpu.memref_slice %arg5[%mul3A_65] : memref<3328xi32, #tpu.memory_space<vmem>> -> memref<128xi32, #tpu.memory_space<vmem>>
          %dma_wait3A_70 = arith.constant 0 : i32
          %dma_wait3A_71 = arith.constant 0 : i32
          %dma_wait3A_72 = tpu.memref_slice %arg7[%dma_wait3A_70, %dma_wait3A_71] : memref<512x128xf32, #tpu.memory_space<vmem_shared>> -> memref<512x128xf32, #tpu.memory_space<vmem_shared>>
          %dma_wait3A_73 = tpu.memref_slice %arg8[%rem3A_63] : memref<6x!tpu.dma_semaphore, #tpu.memory_space<semaphore_mem>> -> memref<1x!tpu.dma_semaphore, #tpu.memory_space<semaphore_mem>>
          %dma_wait3A_74 = tpu.memref_squeeze %dma_wait3A_73 : memref<1x!tpu.dma_semaphore, #tpu.memory_space<semaphore_mem>> -> memref<!tpu.dma_semaphore, #tpu.memory_space<semaphore_mem>>
          tpu.wait_indirect_dma semaphore(%dma_wait3A_74 : memref<!tpu.dma_semaphore, #tpu.memory_space<semaphore_mem>>) src(%dma_wait3A_72 : memref<512x128xf32, #tpu.memory_space<vmem_shared>>) dst(%dma_wait3A_68 : memref<128x128xf32, #tpu.memory_space<vmem>>)
          %rem3A_75 = arith.constant 6 : i32
          %rem3A_76 = arith.remsi %sub3A_39, %rem3A_75 : i32
          %mul3A_77 = arith.constant 128 : i32
          %mul3A_78 = arith.muli %sub3A_39, %mul3A_77 : i32
          %add3A_79 = arith.addi %mul3A_2, %mul3A_78 : i32
          %dma_start3A = arith.constant 0 : i32
          %dma_start3A_80 = arith.constant 0 : i32
          %dma_start3A_81 = tpu.memref_slice %arg6[%rem3A_76, %dma_start3A, %dma_start3A_80] : memref<6x128x128xf32, #tpu.memory_space<vmem>> -> memref<1x128x128xf32, #tpu.memory_space<vmem>>
          %dma_start3A_82 = tpu.memref_squeeze %dma_start3A_81 : memref<1x128x128xf32, #tpu.memory_space<vmem>> -> memref<128x128xf32, #tpu.memory_space<vmem>>
          %dma_start3A_83 = arith.constant 0 : i32
          %dma_start3A_84 = tpu.memref_slice %arg4[%add3A_79, %dma_start3A_83] : memref<100000x128xf32, #tpu.memory_space<hbm>> -> memref<128x128xf32, #tpu.memory_space<hbm>>
          %dma_start3A_85 = tpu.memref_slice %arg9[%rem3A_76] : memref<6x!tpu.dma_semaphore, #tpu.memory_space<semaphore_mem>> -> memref<1x!tpu.dma_semaphore, #tpu.memory_space<semaphore_mem>>
          %dma_start3A_86 = tpu.memref_squeeze %dma_start3A_85 : memref<1x!tpu.dma_semaphore, #tpu.memory_space<semaphore_mem>> -> memref<!tpu.dma_semaphore, #tpu.memory_space<semaphore_mem>>
          %dma_start3A_87 = arith.constant 0 : i32
          %dma_start3A_88 = tpu.memref_slice %arg4[%add3A_79, %dma_start3A_87] : memref<100000x128xf32, #tpu.memory_space<hbm>> -> memref<128x128xf32, #tpu.memory_space<hbm>>
          %dma_start3A_89 = arith.constant 0 : i32
          %dma_start3A_90 = arith.constant 0 : i32
          %dma_start3A_91 = tpu.memref_slice %arg6[%rem3A_76, %dma_start3A_89, %dma_start3A_90] : memref<6x128x128xf32, #tpu.memory_space<vmem>> -> memref<1x128x128xf32, #tpu.memory_space<vmem>>
          %dma_start3A_92 = tpu.memref_squeeze %dma_start3A_91 : memref<1x128x128xf32, #tpu.memory_space<vmem>> -> memref<128x128xf32, #tpu.memory_space<vmem>>
          tpu.enqueue_dma source(%dma_start3A_92 : memref<128x128xf32, #tpu.memory_space<vmem>>) target(%dma_start3A_88 : memref<128x128xf32, #tpu.memory_space<hbm>>) target_semaphore(%dma_start3A_86 : memref<!tpu.dma_semaphore, #tpu.memory_space<semaphore_mem>>)
        } else {
        }
        %mul3A_50 = arith.constant 128 : i32
        %mul3A_51 = arith.muli %sub3A_39, %mul3A_50 : i32
        %add3A_52 = arith.addi %mul3A_2, %mul3A_51 : i32
        %lt3A_53 = arith.constant 100000 : i32
        %lt3A_54 = arith.cmpi slt, %add3A_52, %lt3A_53 : i32
        %add3A_55 = arith.constant 128 : i32
        %add3A_56 = arith.addi %add3A_52, %add3A_55 : i32
        %gt3A_57 = arith.constant 100000 : i32
        %gt3A_58 = arith.cmpi sgt, %add3A_56, %gt3A_57 : i32
        %and3A_59 = arith.andi %lt3A_54, %gt3A_58 : i1
        %convert_element_type3A_60 = arith.extui %and3A_59 : i1 to i32
        %cond3A_61 = arith.constant 0 : i32
        %cond3A_62 = arith.cmpi ne, %convert_element_type3A_60, %cond3A_61 : i32
        scf.if %cond3A_62 {
          %rem3A = arith.constant 6 : i32
          %rem3A_63 = arith.remsi %sub3A_39, %rem3A : i32
          %mul3A_64 = arith.constant 128 : i32
          %mul3A_65 = arith.muli %sub3A_39, %mul3A_64 : i32
          %dma_wait3A = arith.constant 0 : i32
          %dma_wait3A_66 = arith.constant 0 : i32
          %dma_wait3A_67 = tpu.memref_slice %arg6[%rem3A_63, %dma_wait3A, %dma_wait3A_66] : memref<6x128x128xf32, #tpu.memory_space<vmem>> -> memref<1x128x128xf32, #tpu.memory_space<vmem>>
          %dma_wait3A_68 = tpu.memref_squeeze %dma_wait3A_67 : memref<1x128x128xf32, #tpu.memory_space<vmem>> -> memref<128x128xf32, #tpu.memory_space<vmem>>
          %dma_wait3A_69 = arith.constant 0 : i32
          %dma_wait3A_70 = arith.constant 0 : i32
          %dma_wait3A_71 = tpu.memref_slice %dma_wait3A_68[%dma_wait3A_69, %dma_wait3A_70] : memref<128x128xf32, #tpu.memory_space<vmem>> -> memref<32x128xf32, #tpu.memory_space<vmem>>
          %dma_wait3A_72 = tpu.memref_slice %arg5[%mul3A_65] : memref<3328xi32, #tpu.memory_space<vmem>> -> memref<32xi32, #tpu.memory_space<vmem>>
          %dma_wait3A_73 = arith.constant 0 : i32
          %dma_wait3A_74 = arith.constant 0 : i32
          %dma_wait3A_75 = tpu.memref_slice %arg7[%dma_wait3A_73, %dma_wait3A_74] : memref<512x128xf32, #tpu.memory_space<vmem_shared>> -> memref<512x128xf32, #tpu.memory_space<vmem_shared>>
          %dma_wait3A_76 = tpu.memref_slice %arg8[%rem3A_63] : memref<6x!tpu.dma_semaphore, #tpu.memory_space<semaphore_mem>> -> memref<1x!tpu.dma_semaphore, #tpu.memory_space<semaphore_mem>>
          %dma_wait3A_77 = tpu.memref_squeeze %dma_wait3A_76 : memref<1x!tpu.dma_semaphore, #tpu.memory_space<semaphore_mem>> -> memref<!tpu.dma_semaphore, #tpu.memory_space<semaphore_mem>>
          tpu.wait_indirect_dma semaphore(%dma_wait3A_77 : memref<!tpu.dma_semaphore, #tpu.memory_space<semaphore_mem>>) src(%dma_wait3A_75 : memref<512x128xf32, #tpu.memory_space<vmem_shared>>) dst(%dma_wait3A_71 : memref<32x128xf32, #tpu.memory_space<vmem>>)
          %rem3A_78 = arith.constant 6 : i32
          %rem3A_79 = arith.remsi %sub3A_39, %rem3A_78 : i32
          %mul3A_80 = arith.constant 128 : i32
          %mul3A_81 = arith.muli %sub3A_39, %mul3A_80 : i32
          %add3A_82 = arith.addi %mul3A_2, %mul3A_81 : i32
          %dma_start3A = arith.constant 0 : i32
          %dma_start3A_83 = arith.constant 0 : i32
          %dma_start3A_84 = tpu.memref_slice %arg6[%rem3A_79, %dma_start3A, %dma_start3A_83] : memref<6x128x128xf32, #tpu.memory_space<vmem>> -> memref<1x128x128xf32, #tpu.memory_space<vmem>>
          %dma_start3A_85 = tpu.memref_squeeze %dma_start3A_84 : memref<1x128x128xf32, #tpu.memory_space<vmem>> -> memref<128x128xf32, #tpu.memory_space<vmem>>
          %dma_start3A_86 = arith.constant 0 : i32
          %dma_start3A_87 = arith.constant 0 : i32
          %dma_start3A_88 = tpu.memref_slice %dma_start3A_85[%dma_start3A_86, %dma_start3A_87] : memref<128x128xf32, #tpu.memory_space<vmem>> -> memref<32x128xf32, #tpu.memory_space<vmem>>
          %dma_start3A_89 = arith.constant 0 : i32
          %dma_start3A_90 = tpu.memref_slice %arg4[%add3A_82, %dma_start3A_89] : memref<100000x128xf32, #tpu.memory_space<hbm>> -> memref<32x128xf32, #tpu.memory_space<hbm>>
          %dma_start3A_91 = tpu.memref_slice %arg9[%rem3A_79] : memref<6x!tpu.dma_semaphore, #tpu.memory_space<semaphore_mem>> -> memref<1x!tpu.dma_semaphore, #tpu.memory_space<semaphore_mem>>
          %dma_start3A_92 = tpu.memref_squeeze %dma_start3A_91 : memref<1x!tpu.dma_semaphore, #tpu.memory_space<semaphore_mem>> -> memref<!tpu.dma_semaphore, #tpu.memory_space<semaphore_mem>>
          %dma_start3A_93 = arith.constant 0 : i32
          %dma_start3A_94 = tpu.memref_slice %arg4[%add3A_82, %dma_start3A_93] : memref<100000x128xf32, #tpu.memory_space<hbm>> -> memref<32x128xf32, #tpu.memory_space<hbm>>
          %dma_start3A_95 = arith.constant 0 : i32
          %dma_start3A_96 = arith.constant 0 : i32
          %dma_start3A_97 = tpu.memref_slice %arg6[%rem3A_79, %dma_start3A_95, %dma_start3A_96] : memref<6x128x128xf32, #tpu.memory_space<vmem>> -> memref<1x128x128xf32, #tpu.memory_space<vmem>>
          %dma_start3A_98 = tpu.memref_squeeze %dma_start3A_97 : memref<1x128x128xf32, #tpu.memory_space<vmem>> -> memref<128x128xf32, #tpu.memory_space<vmem>>
          %dma_start3A_99 = arith.constant 0 : i32
          %dma_start3A_100 = arith.constant 0 : i32
          %dma_start3A_101 = tpu.memref_slice %dma_start3A_98[%dma_start3A_99, %dma_start3A_100] : memref<128x128xf32, #tpu.memory_space<vmem>> -> memref<32x128xf32, #tpu.memory_space<vmem>>
          tpu.enqueue_dma source(%dma_start3A_101 : memref<32x128xf32, #tpu.memory_space<vmem>>) target(%dma_start3A_94 : memref<32x128xf32, #tpu.memory_space<hbm>>) target_semaphore(%dma_start3A_92 : memref<!tpu.dma_semaphore, #tpu.memory_space<semaphore_mem>>)
        } else {
        }
      } else {
      }
    }
    %scan3A_22 = arith.constant 31 : i32
    %scan3A_23 = arith.constant 0 : i32
    %scan3A_24 = arith.constant 20 : i32
    %scan3A_25 = arith.constant 6 : i32
    %scan3A_26 = arith.addi %scan3A_24, %scan3A_25 : i32
    %scan3A_27 = arith.constant 1 : i32
    scf.for %scan3A_29 = %scan3A_24 to %scan3A_26 step %scan3A_27  : i32 {
      %mul3A_30 = arith.constant 128 : i32
      %mul3A_31 = arith.muli %scan3A_29, %mul3A_30 : i32
      %add3A_32 = arith.addi %mul3A_2, %mul3A_31 : i32
      %add3A_33 = arith.constant 128 : i32
      %add3A_34 = arith.addi %add3A_32, %add3A_33 : i32
      %le3A_35 = arith.constant 100000 : i32
      %le3A_36 = arith.cmpi sle, %add3A_34, %le3A_35 : i32
      %convert_element_type3A_37 = arith.extui %le3A_36 : i1 to i32
      %cond3A_38 = arith.constant 0 : i32
      %cond3A_39 = arith.cmpi ne, %convert_element_type3A_37, %cond3A_38 : i32
      scf.if %cond3A_39 {
        %rem3A = arith.constant 6 : i32
        %rem3A_53 = arith.remsi %scan3A_29, %rem3A : i32
        %mul3A_54 = arith.constant 128 : i32
        %mul3A_55 = arith.muli %scan3A_29, %mul3A_54 : i32
        %add3A_56 = arith.addi %mul3A_2, %mul3A_55 : i32
        %dma_wait3A = arith.constant 0 : i32
        %dma_wait3A_57 = arith.constant 0 : i32
        %dma_wait3A_58 = tpu.memref_slice %arg6[%rem3A_53, %dma_wait3A, %dma_wait3A_57] : memref<6x128x128xf32, #tpu.memory_space<vmem>> -> memref<1x128x128xf32, #tpu.memory_space<vmem>>
        %dma_wait3A_59 = tpu.memref_squeeze %dma_wait3A_58 : memref<1x128x128xf32, #tpu.memory_space<vmem>> -> memref<128x128xf32, #tpu.memory_space<vmem>>
        %dma_wait3A_60 = arith.constant 0 : i32
        %dma_wait3A_61 = tpu.memref_slice %arg4[%add3A_56, %dma_wait3A_60] : memref<100000x128xf32, #tpu.memory_space<hbm>> -> memref<128x128xf32, #tpu.memory_space<hbm>>
        %dma_wait3A_62 = tpu.memref_slice %arg9[%rem3A_53] : memref<6x!tpu.dma_semaphore, #tpu.memory_space<semaphore_mem>> -> memref<1x!tpu.dma_semaphore, #tpu.memory_space<semaphore_mem>>
        %dma_wait3A_63 = tpu.memref_squeeze %dma_wait3A_62 : memref<1x!tpu.dma_semaphore, #tpu.memory_space<semaphore_mem>> -> memref<!tpu.dma_semaphore, #tpu.memory_space<semaphore_mem>>
        %dma_wait3A_64 = arith.constant 0 : i32
        %dma_wait3A_65 = tpu.memref_slice %arg4[%add3A_56, %dma_wait3A_64] : memref<100000x128xf32, #tpu.memory_space<hbm>> -> memref<128x128xf32, #tpu.memory_space<hbm>>
        %dma_wait3A_66 = arith.constant 0 : i32
        %dma_wait3A_67 = arith.constant 0 : i32
        %dma_wait3A_68 = tpu.memref_slice %arg6[%rem3A_53, %dma_wait3A_66, %dma_wait3A_67] : memref<6x128x128xf32, #tpu.memory_space<vmem>> -> memref<1x128x128xf32, #tpu.memory_space<vmem>>
        %dma_wait3A_69 = tpu.memref_squeeze %dma_wait3A_68 : memref<1x128x128xf32, #tpu.memory_space<vmem>> -> memref<128x128xf32, #tpu.memory_space<vmem>>
        tpu.wait_dma2 semaphore(%dma_wait3A_63 : memref<!tpu.dma_semaphore, #tpu.memory_space<semaphore_mem>>) src(%dma_wait3A_69 : memref<128x128xf32, #tpu.memory_space<vmem>>) dst(%dma_wait3A_65 : memref<128x128xf32, #tpu.memory_space<hbm>>)
      } else {
      }
      %mul3A_40 = arith.constant 128 : i32
      %mul3A_41 = arith.muli %scan3A_29, %mul3A_40 : i32
      %add3A_42 = arith.addi %mul3A_2, %mul3A_41 : i32
      %lt3A_43 = arith.constant 100000 : i32
      %lt3A_44 = arith.cmpi slt, %add3A_42, %lt3A_43 : i32
      %add3A_45 = arith.constant 128 : i32
      %add3A_46 = arith.addi %add3A_42, %add3A_45 : i32
      %gt3A_47 = arith.constant 100000 : i32
      %gt3A_48 = arith.cmpi sgt, %add3A_46, %gt3A_47 : i32
      %and3A_49 = arith.andi %lt3A_44, %gt3A_48 : i1
      %convert_element_type3A_50 = arith.extui %and3A_49 : i1 to i32
      %cond3A_51 = arith.constant 0 : i32
      %cond3A_52 = arith.cmpi ne, %convert_element_type3A_50, %cond3A_51 : i32
      scf.if %cond3A_52 {
        %rem3A = arith.constant 6 : i32
        %rem3A_53 = arith.remsi %scan3A_29, %rem3A : i32
        %mul3A_54 = arith.constant 128 : i32
        %mul3A_55 = arith.muli %scan3A_29, %mul3A_54 : i32
        %add3A_56 = arith.addi %mul3A_2, %mul3A_55 : i32
        %dma_wait3A = arith.constant 0 : i32
        %dma_wait3A_57 = arith.constant 0 : i32
        %dma_wait3A_58 = tpu.memref_slice %arg6[%rem3A_53, %dma_wait3A, %dma_wait3A_57] : memref<6x128x128xf32, #tpu.memory_space<vmem>> -> memref<1x128x128xf32, #tpu.memory_space<vmem>>
        %dma_wait3A_59 = tpu.memref_squeeze %dma_wait3A_58 : memref<1x128x128xf32, #tpu.memory_space<vmem>> -> memref<128x128xf32, #tpu.memory_space<vmem>>
        %dma_wait3A_60 = arith.constant 0 : i32
        %dma_wait3A_61 = arith.constant 0 : i32
        %dma_wait3A_62 = tpu.memref_slice %dma_wait3A_59[%dma_wait3A_60, %dma_wait3A_61] : memref<128x128xf32, #tpu.memory_space<vmem>> -> memref<32x128xf32, #tpu.memory_space<vmem>>
        %dma_wait3A_63 = arith.constant 0 : i32
        %dma_wait3A_64 = tpu.memref_slice %arg4[%add3A_56, %dma_wait3A_63] : memref<100000x128xf32, #tpu.memory_space<hbm>> -> memref<32x128xf32, #tpu.memory_space<hbm>>
        %dma_wait3A_65 = tpu.memref_slice %arg9[%rem3A_53] : memref<6x!tpu.dma_semaphore, #tpu.memory_space<semaphore_mem>> -> memref<1x!tpu.dma_semaphore, #tpu.memory_space<semaphore_mem>>
        %dma_wait3A_66 = tpu.memref_squeeze %dma_wait3A_65 : memref<1x!tpu.dma_semaphore, #tpu.memory_space<semaphore_mem>> -> memref<!tpu.dma_semaphore, #tpu.memory_space<semaphore_mem>>
        %dma_wait3A_67 = arith.constant 0 : i32
        %dma_wait3A_68 = tpu.memref_slice %arg4[%add3A_56, %dma_wait3A_67] : memref<100000x128xf32, #tpu.memory_space<hbm>> -> memref<32x128xf32, #tpu.memory_space<hbm>>
        %dma_wait3A_69 = arith.constant 0 : i32
        %dma_wait3A_70 = arith.constant 0 : i32
        %dma_wait3A_71 = tpu.memref_slice %arg6[%rem3A_53, %dma_wait3A_69, %dma_wait3A_70] : memref<6x128x128xf32, #tpu.memory_space<vmem>> -> memref<1x128x128xf32, #tpu.memory_space<vmem>>
        %dma_wait3A_72 = tpu.memref_squeeze %dma_wait3A_71 : memref<1x128x128xf32, #tpu.memory_space<vmem>> -> memref<128x128xf32, #tpu.memory_space<vmem>>
        %dma_wait3A_73 = arith.constant 0 : i32
        %dma_wait3A_74 = arith.constant 0 : i32
        %dma_wait3A_75 = tpu.memref_slice %dma_wait3A_72[%dma_wait3A_73, %dma_wait3A_74] : memref<128x128xf32, #tpu.memory_space<vmem>> -> memref<32x128xf32, #tpu.memory_space<vmem>>
        tpu.wait_dma2 semaphore(%dma_wait3A_66 : memref<!tpu.dma_semaphore, #tpu.memory_space<semaphore_mem>>) src(%dma_wait3A_75 : memref<32x128xf32, #tpu.memory_space<vmem>>) dst(%dma_wait3A_68 : memref<32x128xf32, #tpu.memory_space<hbm>>)
      } else {
      }
    }
    %scan3A_28 = arith.constant 6 : i32
    return
  }
}

</mosaic_0001>

<sc_bundles>
// kernel: _run.3.cloned.1.call-start
scs
__scs_entry_jumppad:
0x0: {  	(pc) =	sbr.rel $0x88, $3  }
0x1: {  	(tag) =	ssettag $0x0;
	lr =	simm.s32 $0x1  }
0x2: {  	[smem:$0x3F9F] =	sst lr;
	_ =	strace $0xD0000000  }
0x3: {  	_ = 	snop  }
0x4: {  	_ = 	snop  }
0x5: {  	_ = 	snop  }
0x6: {  	_ = 	snop  }
0x7: {  	_ = 	snop  }
__scs_overlays_trampoline_lowered:
0x8: {  	[smem:$0x3FAE] =	sst s0  }
0x9: {  	[smem:$0x3FAF] =	sst s1  }
0xa: {  	[smem:$0x3FB0] =	sst s2  }
0xb: {  	[smem:$0x3FB1] =	sst s3  }
0xc: {  	[smem:$0x3FB2] =	sst s4  }
0xd: {  	[smem:$0x3FB3] =	sst s5  }
0xe: {  	[smem:$0x3FB4] =	sst s6  }
0xf: {  	[smem:$0x3FB5] =	sst s7  }
0x10: {  	[smem:$0x3FB6] =	sst s8  }
0x11: {  	[smem:$0x3FB7] =	sst s9;
	s0 =	simm.s32 @!p0 $0x0  }
0x12: {  	s1 =	sld [smem:$0x3F9D];
	s0 =	simm.s32 @p0 $0x1  }
0x13: {  	[smem:$0x3FB8] =	sst s0;
	s0 =	simm.s32 @!p1 $0x0  }
0x14: {  	s2 =	sld [smem:$0x3F9C];
	s0 =	simm.s32 @p1 $0x1  }
0x15: {  	[smem:$0x3FB9] =	sst s0;
	s0 =	simm.s32 @!p2 $0x0  }
0x16: {  	s3 =	sld [smem:$0x3FDB];
	s0 =	simm.s32 @p2 $0x1  }
0x17: {  	s4 =	simm.s32 $0x1BF5;
	[smem:$0x3FBB] =	sst s0  }
0x18: {  	s0 =	sld [smem:$0x3F9E];
	_ =	swait.ge [sflag:s4], $0x0  }
0x19: {  	s7 =	sld [smem:$0x3F9F]  }
0x1a: {  	s8 =	sadd.s32 $0xFFFFE003, lr  }
0x1b: {  	s9 =	sadd.s32 $0xFFFFFEF7, lr;
	s5 =	simm.s32 $0xFFFFFFFF;
	p2 =	slt.u32 s8, $0xFFFFF086  }
0x1c: {  	p1 =	slt.u32 s9, $0xF7A;
	s5 =	simm.s32 @!p2 $0x0  }
0x1d: {  	s5 =	simm.s32 @p1 $0x1;
	p0 =	seq.s32 s7, s2  }
0x1e: {  	s7 =	smul.u32 @!p0 $0xF7A, s2;
	p2 =	seq.s32 @!p0 s5, $0x0  }
0x1f: {  	s9 =	smul.u32 $0xF7A, s1;
	s8 =	simm.s32 @!p0 $0x1BF5;
	p2 =	por !p2, p0  }
0x20: {  	[sflag:s8] =	ssyncset.s32 @!p0 $0xFFFFF086;
	s6 =	sadd.s32 @!p0 s3, s7;
	s7 =	simm.s32 @!p0 $0x108  }
0x21: {  	s3 =	sadd.s32 s3, s9;
	s6 =	sadd.s32 @!p0 $0x88, s6;
	s7 =	simm.s32 @p2 $0x1082  }
0x22: {  	[simem:s7], [sflag:s8] =	dma.local @!p0 [hbm:s6], $0xF7A  }
0x23: {  	s9 =	sor.u32 $0xD0000000, s2;
	s6 =	simm.s32 $0x108;
	_ =	swait.ge @!p0 [sflag:s8], $0x0  }
0x24: {  	s3 =	sadd.s32 $0x88, s3;
	s6 =	simm.s32 @!p1 $0x1082;
	[sflag:s4] =	ssyncset.s32 $0xFFFFF086  }
0x25: {  	[simem:s6], [sflag:s4] =	dma.local [hbm:s3], $0xF7A  }
0x26: {  	[smem:$0x3F9F] =	sst s1;
	(tag) =	ssettag s2;
	_ =	strace s9  }
0x27: {  	s1 =	sld [smem:$0x3FAF]  }
0x28: {  	s2 =	sld [smem:$0x3FB0]  }
0x29: {  	s4 =	sld [smem:$0x3FB2]  }
0x2a: {  	p0 =	seq.s32 s5, $0x0;
	s5 =	sld [smem:$0x3FB3]  }
0x2b: {  	s6 =	sld [smem:$0x3FB4]  }
0x2c: {  	s7 =	sld [smem:$0x3FB5]  }
0x2d: {  	s3 =	simm.s32 $0x108;
	s8 =	sld [smem:$0x3FB6]  }
0x2e: {  	s3 =	simm.s32 @!p0 $0x1082;
	s9 =	sld [smem:$0x3FB7]  }
0x2f: {  	lr =	sadd.s32 s0, s3;
	s0 =	sld [smem:$0x3FAE]  }
0x30: {  	s3 =	sld [smem:$0x3FB1]  }
0x31: {  	[smem:$0x3FBA] =	sst s10  }
0x32: {  	s10 =	sld [smem:$0x3FB8];
	_ =	sdelay $0x3  }
0x33: {  	p0 =	seq.s32 s10, $0x1;
	s10 =	sld [smem:$0x3FBA];
	_ =	sdelay $0x3  }
0x34: {  	[smem:$0x3FBA] =	sst s10  }
0x35: {  	s10 =	sld [smem:$0x3FB9];
	_ =	sdelay $0x3  }
0x36: {  	p1 =	seq.s32 s10, $0x1;
	s10 =	sld [smem:$0x3FBA];
	_ =	sdelay $0x3  }
0x37: {  	[smem:$0x3FBA] =	sst s10  }
0x38: {  	s10 =	sld [smem:$0x3FBB]  }
0x39: {  	_ = 	snop;
	(pc) =	sbr.ind lr, $3  }
0x3a: {  	_ = 	snop  }
0x3b: {  	_ = 	snop  }
0x3c: {  	p2 =	seq.s32 s10, $0x1;
	s10 =	sld [smem:$0x3FBA]  }
0x3d: {  	_ =	shalt  }
0x3e: {  	_ =	shalt  }
0x3f: {  	_ =	shalt  }
0x40: {  	_ =	shalt  }
0x41: {  	_ =	shalt  }
0x42: {  	_ =	shalt  }
0x43: {  	_ =	shalt  }
0x44: {  	_ =	shalt  }
0x45: {  	_ =	shalt  }
0x46: {  	_ =	shalt  }
0x47: {  	_ =	shalt  }
0x48: {  	_ =	shalt  }
0x49: {  	_ =	shalt  }
0x4a: {  	_ =	shalt  }
0x4b: {  	_ =	shalt  }
0x4c: {  	_ =	shalt  }
0x4d: {  	_ =	shalt  }
0x4e: {  	_ =	shalt  }
0x4f: {  	_ =	shalt  }
0x50: {  	_ =	shalt  }
0x51: {  	_ =	shalt  }
0x52: {  	_ =	shalt  }
0x53: {  	_ =	shalt  }
0x54: {  	_ =	shalt  }
0x55: {  	_ =	shalt  }
0x56: {  	_ =	shalt  }
0x57: {  	_ =	shalt  }
0x58: {  	_ =	shalt  }
0x59: {  	_ =	shalt  }
0x5a: {  	_ =	shalt  }
0x5b: {  	_ =	shalt  }
0x5c: {  	_ =	shalt  }
0x5d: {  	_ =	shalt  }
0x5e: {  	_ =	shalt  }
0x5f: {  	_ =	shalt  }
0x60: {  	_ =	shalt  }
0x61: {  	_ =	shalt  }
0x62: {  	_ =	shalt  }
0x63: {  	_ =	shalt  }
0x64: {  	_ =	shalt  }
0x65: {  	_ =	shalt  }
0x66: {  	_ =	shalt  }
0x67: {  	_ =	shalt  }
0x68: {  	_ =	shalt  }
0x69: {  	_ =	shalt  }
0x6a: {  	_ =	shalt  }
0x6b: {  	_ =	shalt  }
0x6c: {  	_ =	shalt  }
0x6d: {  	_ =	shalt  }
0x6e: {  	_ =	shalt  }
0x6f: {  	_ =	shalt  }
0x70: {  	_ =	shalt  }
0x71: {  	_ =	shalt  }
0x72: {  	_ =	shalt  }
0x73: {  	_ =	shalt  }
0x74: {  	_ =	shalt  }
0x75: {  	_ =	shalt  }
0x76: {  	_ =	shalt  }
0x77: {  	_ =	shalt  }
0x78: {  	_ =	shalt  }
0x79: {  	_ =	shalt  }
0x7a: {  	_ =	shalt  }
0x7b: {  	_ =	shalt  }
0x7c: {  	_ =	shalt  }
0x7d: {  	_ =	shalt  }
0x7e: {  	_ =	shalt  }
0x7f: {  	_ =	shalt  }
0x80: {  	_ =	shalt  }
0x81: {  	_ =	shalt  }
0x82: {  	_ =	shalt  }
0x83: {  	_ =	shalt  }
0x84: {  	_ =	shalt  }
0x85: {  	_ =	shalt  }
0x86: {  	_ =	shalt  }
0x87: {  	_ =	shalt  }
.Lfunc_end0:
.L_simem_size_0:
called_computation_lowered:
.L_overlay_start_0:
0x88: {  	s2 =	sld [smem:$0x3FD9]  }
0x89: {  	s3 =	sld [smem:$0x3FFE];
	_ =	sdelay $0x1  }
0x8a: {  	s1 =	srdreg.scid  }
0x8b: {  	s0 =	sand.u32 $0x1, s1  }
0x8c: {  	s18 =	sshll.u32 s0, $0xA;
	s2 =	sadd.s32 s3, s2  }
0x8d: {  	s2 =	sadd.s32 s2, s18  }
0x8e: {  	[smem:$0x3FC6] =	sst s2  }
0x8f: {  	_ = 	snop  }
0x90: {  	s2 =	sld [smem:$0x3FC9]  }
0x91: {  	s19 =	sld [smem:$0x3FC8]  }
0x92: {  	s4 =	sld [smem:$0x3FD0];
	(tm) =	ssettm $0x1  }
0x93: {  	s5 =	sld [smem:$0x3FFB];
	_ =	sdelay $0x3  }
0x94: {  	_ =	strace s5  }
0x95: {  	s5 =	sld [smem:$0x3FFC];
	_ =	sdelay $0x3  }
0x96: {  	_ =	strace s5  }
0x97: {  	s5 =	sld [smem:$0x3FFD];
	_ =	sdelay $0x3  }
0x98: {  	_ =	strace s5  }
0x99: {  	_ =	strace $0x8FFFFFFF  }
0x9a: {  	s20 =	sld [smem:$0x3FDB];
	_ =	sdelay $0x1  }
0x9b: {  	s6 =	simm.s32 $_scs_section_size  }
0x9c: {  	s7 =	simm.s32 $_size__tile_overlayer_lowered;
	s8 =	simm.s32 $_tile_overlayer_lowered  }
0x9d: {  	s23 =	simm.s32 $0x1BFF;
	s22 =	sshll.u32 s8, $0x1;
	s5 =	sadd.s32 s6, s20  }
0x9e: {  	s9 =	simm.s32 $0x0;
	s21 =	sshll.u32 s7, $0x1;
	s7 =	sadd.s32 s22, s5  }
0x9f: {  	[timem:s9], [sflag:s23] =	dma.local [hbm:s7], s21  }
0xa0: {  	_ =	swait.ge [sflag:s23], s21  }
0xa1: {  	s6 =	ssub.s32 $0x0, s21;
	[sflag:s23] =	ssyncset.done $0x0  }
0xa2: {  	[sflag:s23] =	ssyncadd.s32 s6;
	_ =	sdelay $0x1  }
0xa3: {  	s24 =	simm.s32 $0x1B8B  }
0xa4: {  	_ =	swait.ge [sflag:s24], $0x1  }
0xa5: {  	[sflag:s24] =	ssyncset.done $0x0  }
0xa6: {  	s25 =	simm.s32 $0x1B8E;
	[sflag:s24] =	ssyncadd.s32 $0xFFFFFFFF  }
0xa7: {  	s26 =	simm.s32 $execute0_lowered;
	[smem:$0x3FD2] =	sst s25  }
0xa8: {  	s6 =	sshll.u32 s26, $0x1;
	_ =	strace $0x80000046;
	[dreg:$0x1] =	wrdreg $0xFFFFFFFF  }
0xa9: {  	s28 =	simm.s32 $_size_execute0_lowered;
	s5 =	sadd.s32 s5, s6;
	[dreg:$0x0] =	wrdreg $0x0  }
0xaa: {  	s6 =	sshll.u32 s28, $0x1;
	[dreg:$0x2] =	wrdreg s5  }
0xab: {  	[dreg:$0x3] =	wrdreg s6  }
0xac: {  	[dreg:$0x4] =	wrdreg $0xC0  }
0xad: {  	_ =	task [dreg:s9], $0x5FFFF  }
0xae: {  	[dreg:$0x1] =	wrdreg $0xFFFFFFFF  }
0xaf: {  	[dreg:$0x0] =	wrdreg $0x60  }
0xb0: {  	[dreg:$0x2] =	wrdreg s2  }
0xb1: {  	[dreg:$0x3] =	wrdreg s19  }
0xb2: {  	[dreg:$0x4] =	wrdreg s4  }
0xb3: {  	[dreg:$0x5] =	wrdreg $0x18D000  }
0xb4: {  	[dreg:$0x6] =	wrdreg $0x9  }
0xb5: {  	_ =	task.clear_ibuf [dreg:s9], $0x7FFFF;
	_ =	strace $0x90000046  }
0xb6: {  	s29 =	simm.s32 $0x9;
	_ =	strace $0x80000048  }
0xb7: {  	_ =	swait.ge [sflag:s29], $0x1  }
0xb8: {  	[sflag:s29] =	ssyncadd.s32 $0xFFFFFFFF  }
0xb9: {  	_ =	strace $0x90000048  }
0xba: {  	_ =	sfence  }
0xbb: {  	s30 =	sld [smem:$0x0];
	_ =	sdelay $0x2  }
0xbc: {  	s31 =	sshll.u32 s1, $0xD;
	s1 =	sshrl.u32 s1, $0x2  }
0xbd: {  	s3 =	sand.u32 $0x4000, s31;
	s1 =	sadd.s32 s1, s30  }
0xbe: {  	s0 =	sor.u32 s3, s0;
	s1 =	sshll.u32 s1, $0x11  }
0xbf: {  	s0 =	sor.u32 s1, s0  }
0xc0: {  	s0 =	sadd.s32 $0x8F2B, s0  }
0xc1: {  	[sflag:s0] =	ssyncadd.remote.s32 $0x1  }
0xc2: {  	_ =	sfence.sel $0xFFFF  }
0xc3: {  	[dreg:$0x0] =	wrdreg $0xFFFFFFFF;
	(pc) =	sbr.abs _section_cstart, $3  }
0xc4: {  	[dreg:$0x1] =	wrdreg $0xFFFFFFFF  }
0xc5: {  	_ =	task.clear_ibuf [dreg:s9], $0x2FFFF;
	_ =	strace $0x9FFFFFFF  }
0xc6: {  	(tm) =	ssettm $0x7FFFFFFF  }
0xc7: {  	_ =	shalt  }
tec
execute0_lowered:
.L_overlay_start_1:
0x0: {  	(tag) =	ssettag $0x1  }
0x1: {  	s1 =	rddreg [dreg:$0x0]  }
0x2: {  	s2 =	srdreg.scid;
	s5 =	rddreg [dreg:$0x1]  }
0x3: {  	s0 =	stileid.u32;
	s9 =	rddreg [dreg:$0x2]  }
0x4: {  	s3 =	rddreg [dreg:$0x3];
	s8 =	sand.u32 $0x1, s2;
	s29 =	sshll.u32 s0, $0x1  }
0x5: {  	s4 =	simm.s32 $0x0;
	s30 =	smul.u32 $0x1A00, s0;
	s2 =	sor.u32 s8, s29  }
0x6: {  	[smem:$0x7FF] =	sst s4;
	s6 =	ssub.s32 $0x2, s8;
	s7 =	smul.u32 $0xD00, s2  }
0x7: {  	p0 =	sne.s32 s0, $0xF;
	s31 =	smul.u32 $0x1A000, s0;
	s10 =	sshrl.u32 s6, $0x1  }
0x8: {  	s13 =	smul.u32 $0xD00, s8;
	s6 =	ssub.s32 s6, s10;
	s10 =	sadd.s32 $0xFFFE845F, s7  }
0x9: {  	p6 =	seq.s32 s0, $0xF;
	s8 =	smul.u32 $0xD000, s8;
	p1 =	sgt.u32 @!p0 s10, $0x7E  }
0xa: {  	p5 =	sne.s32 @!p6 s0, $0x0;
	s10 =	sadd.s32 $0xFFFE855F, s7;
	p3 =	por !p1, p0  }
0xb: {  	s2 =	rddreg [dreg:$0x4];
	_ =	strace $0x80000047;
	p2 =	sgt.u32 @!p3 s10, $0x7E  }
0xc: {  	s9 =	sadd.s32 s31, s9;
	p5 =	por p5, p6;
	p4 =	por @!p0 !p2, !p1  }
0xd: {  	s8 =	sadd.s32 s8, s9;
	s12 =	sadd.s32 $0xFFFE865F, s7;
	p4 =	por p4, p0  }
0xe: {  	s9 =	simm.s32 @!p6 $0x0;
	s11 =	sshrl.u32 s7, $0x3;
	p4 =	sgt.u32 @!p4 s12, $0x7E  }
0xf: {  	s6 =	smax.u32 s6, $0x1;
	p4 =	por @!p3 p4, !p2;
	p3 =	sgt.u32 s12, $0xCFE  }
0x10: {  	s9 =	simm.s32 @p6 $0x1;
	s10 =	simm.s32 @!p3 $0x0;
	p4 =	por @!p0 p4, !p1  }
0x11: {  	s8 =	sadd.s32 $0xFFFFD800, s8;
	s10 =	simm.s32 @p3 $0x1;
	p3 =	por p4, p0  }
0x12: {  	p2 =	por @!p0 p2, !p1;
	[smem:$0x7FA] =	sst s10;
	s10 =	simm.s32 @!p3 $0x0  }
0x13: {  	[smem:$0x7F8] =	sst s9;
	p2 =	por p2, p0;
	s10 =	simm.s32 @p3 $0x1  }
.Ltmp0:
0x14: {  	[smem:$0x7FB] =	sst s10;
	s10 =	simm.s32 @!p2 $0x0;
	(pc) =	sbr.rel .LBB2_1-.Ltmp0, $4  }
0x15: {  	s9 =	simm.s32 @!p5 $0x0;
	p1 =	por p1, p0;
	s10 =	simm.s32 @p2 $0x1  }
0x16: {  	s9 =	simm.s32 @p5 $0x1;
	[smem:$0x7FC] =	sst s10;
	s10 =	simm.s32 @!p1 $0x0  }
0x17: {  	s5 =	sadd.s32 s5, s11;
	[smem:$0x7F9] =	sst s9;
	s10 =	simm.s32 @p1 $0x1  }
0x18: {  	s7 =	sadd.s32 s13, s30;
	s9 =	sshrl.u32 @!p5 s3, $0x3;
	[smem:$0x7FD] =	sst s10  }
.LBB2_5:
0x19: {  	s10 =	simm.s32 @p0 $0x9  }
0x1a: {  	_ =	swait.ge @p0 [sflag:s10], $0x4000  }
0x1b: {  	[sflag:s10] =	ssyncset.done @p0 $0x0  }
0x1c: {  	[sflag:s10] =	ssyncadd.s32 @p0 $0xFFFFC000;
	s10 =	simm.s32 @p0 $0xA  }
0x1d: {  	_ =	swait.ge @p0 [sflag:s10], $0x4000  }
0x1e: {  	[sflag:s10] =	ssyncset.done @p0 $0x0  }
0x1f: {  	[sflag:s10] =	ssyncadd.s32 @p0 $0xFFFFC000;
	s10 =	simm.s32 @p0 $0xB  }
0x20: {  	_ =	swait.ge @p0 [sflag:s10], $0x4000  }
0x21: {  	[sflag:s10] =	ssyncset.done @p0 $0x0  }
0x22: {  	[sflag:s10] =	ssyncadd.s32 @p0 $0xFFFFC000;
	s10 =	simm.s32 @p0 $0xC  }
0x23: {  	_ =	swait.ge @p0 [sflag:s10], $0x4000  }
0x24: {  	[sflag:s10] =	ssyncset.done @p0 $0x0  }
0x25: {  	[sflag:s10] =	ssyncadd.s32 @p0 $0xFFFFC000;
	s10 =	simm.s32 @p0 $0x7  }
0x26: {  	_ =	swait.ge @p0 [sflag:s10], $0x4000  }
0x27: {  	[sflag:s10] =	ssyncset.done @p0 $0x0  }
0x28: {  	[sflag:s10] =	ssyncadd.s32 @p0 $0xFFFFC000;
	s10 =	simm.s32 @p0 $0x8  }
0x29: {  	_ =	swait.ge @p0 [sflag:s10], $0x4000  }
0x2a: {  	s29 =	sld [smem:$0x7FB];
	_ =	sdelay $0x2  }
0x2b: {  	[sflag:s10] =	ssyncset.done @p0 $0x0;
	p1 =	seq.s32 s29, $0x1  }
0x2c: {  	[sflag:s10] =	ssyncadd.s32 @p0 $0xFFFFC000;
	s10 =	simm.s32 @!p1 $0x8  }
0x2d: {  	_ =	swait.ge @!p1 [sflag:s10], $0x1000  }
0x2e: {  	s30 =	sld [smem:$0x7FC];
	_ =	sdelay $0x1  }
0x2f: {  	[sflag:s10] =	ssyncset.done @!p1 $0x0  }
0x30: {  	[sflag:s10] =	ssyncadd.s32 @!p1 $0xFFFFF000;
	p1 =	seq.s32 s30, $0x1  }
0x31: {  	s10 =	simm.s32 @!p1 $0xC  }
0x32: {  	_ =	swait.ge @!p1 [sflag:s10], $0x1000  }
0x33: {  	s31 =	sld [smem:$0x7FD]  }
0x34: {  	s4 =	sadd.s32 $0x1, s4;
	[sflag:s10] =	ssyncset.done @!p1 $0x0  }
0x35: {  	[sflag:s10] =	ssyncadd.s32 @!p1 $0xFFFFF000;
	p1 =	sne.s32 s4, s6  }
.Ltmp1:
0x36: {  	p2 =	seq.s32 s31, $0x1;
	(pc) =	sbr.rel @!p1 .LBB2_6-.Ltmp1, $4  }
0x37: {  	s10 =	simm.s32 @!p2 $0xA  }
0x38: {  	_ =	swait.ge @!p2 [sflag:s10], $0x1000  }
0x39: {  	[sflag:s10] =	ssyncset.done @!p2 $0x0  }
0x3a: {  	[sflag:s10] =	ssyncadd.s32 @!p2 $0xFFFFF000  }
.LBB2_1:
0x3b: {  	s10 =	sld [smem:$0x7F9];
	_ =	sdelay $0x2  }
0x3c: {  	p1 =	seq.s32 s10, $0x1  }
0x3d: {  	s10 =	simm.s32 @!p1 $0x1C0D  }
0x3e: {  	[spmem:s9], [sflag:s10] =	dma.local @!p1 [hbm:s1], $0x2000  }
0x3f: {  	s10 =	simm.s32 @!p1 $0xD  }
0x40: {  	_ =	swait.ge @!p1 [sflag:s10], $0x2000  }
0x41: {  	s30 =	sld [smem:$0x7F8];
	_ =	sdelay $0x1  }
0x42: {  	[sflag:s10] =	ssyncset.done @!p1 $0x0  }
0x43: {  	[sflag:s10] =	ssyncadd.s32 @!p1 $0xFFFFE000;
	p1 =	seq.s32 s30, $0x1  }
0x44: {  	s10 =	simm.s32 @!p1 $0x0  }
0x45: {  	[tilespmem:s10], [sflag:$0xD] =	stream.linear.gather @!p1 [hbm4b:s5+s10], $0xD00, $0x38;
	[tilespmem:$0x19D00] =	vst v63  }
0x46: {  	s10 =	simm.s32 @!p1 $0xD  }
0x47: {  	_ =	swait.ge @!p1 [sflag:s10], $0xD00  }
0x48: {  	s31 =	sld [smem:$0x7FA];
	_ =	sdelay $0x1  }
0x49: {  	[sflag:s10] =	ssyncset.done @!p1 $0x0  }
0x4a: {  	[sflag:s10] =	ssyncadd.s32 @!p1 $0xFFFFF300;
	p1 =	seq.s32 s31, $0x1  }
0x4b: {  	s10 =	simm.s32 @!p1 $0x0  }
0x4c: {  	[tilespmem:s10], [sflag:$0xD] =	stream.linear.gather @!p1 [hbm4b:s5+s10], $0xA0, $0x38;
	[tilespmem:$0x19D00] =	vst v63  }
0x4d: {  	s10 =	simm.s32 @!p1 $0xD  }
.Ltmp2:
0x4e: {  	_ =	swait.ge @!p1 [sflag:s10], $0xA0;
	(pc) =	sbr.rel .LBB2_2-.Ltmp2, $4  }
0x4f: {  	[sflag:s10] =	ssyncset.done @!p1 $0x0  }
0x50: {  	[sflag:s10] =	ssyncadd.s32 @!p1 $0xFFFFFF60  }
0x51: {  	s13 =	simm.s32 $0xFFFFFFFA;
	[bflag:$0x0] =	sbarrier.arrive $0xFFFF  }
0x52: {  	s11 =	simm.s32 $0x0;
	s12 =	simm.s32 $0x0;
	s10 =	smov.u32 s8  }
.LBB2_4:
0x53: {  	s12 =	sadd.s32 $0x80, s12  }
0x54: {  	p1 =	sne.s32 s12, $0xF80  }
.Ltmp3:
0x55: {  	_ = 	snop;
	(pc) =	sbr.rel @!p1 .LBB2_5-.Ltmp3, $2  }
0x56: {  	_ =	sdelay $0x2  }
0x57: {  	s11 =	sadd.s32 $0x80, s11;
	s10 =	sadd.s32 $0x800, s10;
	s13 =	smov.u32 s14  }
.LBB2_2:
0x58: {  	s14 =	sadd.s32 $0x6, s13  }
0x59: {  	p4 =	sgt.u32 s14, $0x19  }
0x5a: {  	p1 =	slt.u32 @!p4 s14, $0x6  }
0x5b: {  	p2 =	por p1, p4  }
0x5c: {  	s15 =	sadd.s32 @!p2 s12, s7  }
0x5d: {  	s15 =	sadd.s32 @!p2 $0xFFFFFD00, s15  }
0x5e: {  	p5 =	sgt.u32 @!p2 s15, $0x18620  }
0x5f: {  	p6 =	por @!p4 !p5, p1  }
0x60: {  	p6 =	por p6, p4  }
0x61: {  	s15 =	sadd.s32 @!p6 s12, s7  }
0x62: {  	s15 =	sadd.s32 @!p6 $0xFFFE76DF, s15  }
0x63: {  	p6 =	sgt.u32 @!p6 s15, $0x7E  }
0x64: {  	p2 =	por @!p2 p6, !p5  }
0x65: {  	p2 =	por @!p4 p2, p1  }
0x66: {  	s15 =	sadd.s32 @!p4 s12, s7;
	p6 =	por p2, p4  }
0x67: {  	p2 =	sgt.u32 @!p4 s15, $0x18620;
	s16 =	smul.u32 @!p6 $0xAB, s13  }
0x68: {  	p3 =	por !p2, p4  }
0x69: {  	s15 =	sshrl.u32 @!p6 s16, $0xA;
	s16 =	sadd.s32 @!p3 s12, s7  }
0x6a: {  	p1 =	por @!p4 p5, p1;
	s15 =	sand.u32 @!p6 $0x3F, s15;
	s16 =	sadd.s32 @!p3 $0xFFFE79DF, s16  }
0x6b: {  	p1 =	por p1, p4;
	s15 =	smul.u32 @!p6 $0x6, s15;
	p3 =	sgt.u32 @!p3 s16, $0x7E  }
0x6c: {  	s16 =	smul.u32 @!p1 $0xAB, s13;
	p3 =	por @!p4 p3, !p2  }
0x6d: {  	p5 =	por p3, p4  }
0x6e: {  	s15 =	ssub.s32 @!p6 s13, s15;
	s16 =	sshrl.u32 @!p1 s16, $0xA;
	s17 =	smul.u32 @!p5 $0xAB, s14  }
0x6f: {  	s15 =	sand.u32 @!p6 $0xFF, s15;
	s16 =	sand.u32 @!p1 $0x3F, s16  }
0x70: {  	s15 =	sadd.s32 @!p6 $0x7, s15;
	s16 =	smul.u32 @!p1 $0x6, s16;
	s17 =	sshrl.u32 @!p5 s17, $0xA  }
0x71: {  	_ =	swait.ge @!p6 [sflag:s15], $0x1000;
	s17 =	sand.u32 @!p5 $0x3F, s17  }
0x72: {  	[sflag:s15] =	ssyncset.done @!p6 $0x0;
	s16 =	ssub.s32 @!p1 s13, s16;
	s17 =	smul.u32 @!p5 $0x6, s17  }
0x73: {  	[sflag:s15] =	ssyncadd.s32 @!p6 $0xFFFFF000;
	s15 =	sand.u32 @!p1 $0xFF, s16  }
0x74: {  	p2 =	por p2, p4;
	s15 =	sadd.s32 @!p1 $0x7, s15;
	s16 =	ssub.s32 @!p5 s14, s17  }
0x75: {  	s17 =	smul.u32 @!p2 $0xAB, s14;
	_ =	swait.ge @!p1 [sflag:s15], $0x4000;
	s16 =	sand.u32 @!p5 $0xFF, s16  }
0x76: {  	[sflag:s15] =	ssyncset.done @!p1 $0x0;
	s18 =	sshll.u32 @!p5 s16, $0xE  }
0x77: {  	s17 =	sshrl.u32 @!p2 s17, $0xA;
	[sflag:s15] =	ssyncadd.s32 @!p1 $0xFFFFC000;
	s16 =	sadd.s32 @!p5 $0x1, s16  }
0x78: {  	p1 =	slt.u32 @!p4 s14, $0x5;
	s15 =	sor.u32 @!p5 $0xD00, s18;
	s17 =	sand.u32 @!p2 $0x3F, s17  }
0x79: {  	s18 =	simm.s32 @!p5 $0x20;
	p1 =	por p4, !p1;
	s17 =	smul.u32 @!p2 $0x6, s17  }
0x7a: {  	[tilespmem:s15], [sflag:s16] =	stream.indirect.gather @!p5 [spmem:s3], $0x80, s11, s18, $0xb8;
	[tilespmem:$0x19D00] =	vst v63  }
.Ltmp4:
0x7b: {  	s15 =	ssub.s32 @!p2 s14, s17;
	(pc) =	sbr.rel @!p1 .LBB2_4-.Ltmp4, $4  }
0x7c: {  	s15 =	sand.u32 @!p2 $0xFF, s15  }
0x7d: {  	s17 =	simm.s32 @!p2 $0x80;
	s16 =	sshll.u32 @!p2 s15, $0xE  }
0x7e: {  	s14 =	sadd.s32 $0x1, s13;
	s15 =	sadd.s32 @!p2 $0x1, s15;
	s16 =	sor.u32 @!p2 $0xD00, s16  }
0x7f: {  	[tilespmem:s16], [sflag:s15] =	stream.indirect.gather @!p2 [spmem:s3], $0x80, s11, s17, $0xb8;
	[tilespmem:$0x19D00] =	vst v63  }
0x80: {  	s15 =	sadd.s32 s12, s7  }
0x81: {  	s15 =	sadd.s32 $0xFFFFFD80, s15  }
0x82: {  	p4 =	sgt.u32 s15, $0x18620  }
0x83: {  	p1 =	sgt.u32 @p4 s15, $0x1869F  }
0x84: {  	s13 =	sadd.s32 $0x1, s13;
	p1 =	por p1, !p4  }
0x85: {  	s15 =	sand.u32 @!p1 $0xFF, s13  }
0x86: {  	s15 =	smul.u32 @!p1 $0xAB, s15;
	_ =	sdelay $0x1  }
0x87: {  	s15 =	sshrl.u32 @!p1 s15, $0xA  }
0x88: {  	s17 =	sand.u32 @!p4 $0xFF, s13;
	s15 =	smul.u32 @!p1 $0x6, s15  }
0x89: {  	s17 =	smul.u32 @!p4 $0xAB, s17  }
0x8a: {  	s15 =	ssub.s32 @!p1 s13, s15  }
0x8b: {  	s17 =	sshrl.u32 @!p4 s17, $0xA;
	s15 =	sand.u32 @!p1 $0xFF, s15  }
0x8c: {  	s17 =	smul.u32 @!p4 $0x6, s17;
	s16 =	sadd.s32 @!p1 $0x1, s15  }
0x8d: {  	_ =	swait.ge @!p1 [sflag:s16], $0x1000  }
0x8e: {  	s13 =	ssub.s32 @!p4 s13, s17;
	[sflag:s16] =	ssyncset.done @!p1 $0x0  }
0x8f: {  	[sflag:s16] =	ssyncadd.s32 @!p1 $0xFFFFF000;
	s16 =	sadd.s32 @!p1 $0x7, s15;
	s15 =	sshll.u32 @!p1 s15, $0xE  }
0x90: {  	s18 =	simm.s32 @!p1 $0x0;
	s13 =	sand.u32 @!p4 $0xFF, s13;
	s15 =	sor.u32 @!p1 $0xD00, s15  }
0x91: {  	[hbm4b:s10+s18] =	stream.linear.scatter @!p1 [tilespmem:s15], [sflag:s16], $0x1000, $0x38;
	[tilespmem:$0x19D00] =	vst v63  }
0x92: {  	s15 =	sadd.s32 @!p4 $0x1, s13  }
.Ltmp5:
0x93: {  	_ =	swait.ge @!p4 [sflag:s15], $0x4000;
	(pc) =	sbr.rel .LBB2_4-.Ltmp5, $4  }
0x94: {  	[sflag:s15] =	ssyncset.done @!p4 $0x0  }
0x95: {  	[sflag:s15] =	ssyncadd.s32 @!p4 $0xFFFFC000;
	s15 =	sshll.u32 @!p4 s13, $0xE  }
0x96: {  	s16 =	simm.s32 @!p4 $0x0;
	s13 =	sadd.s32 @!p4 $0x7, s13;
	s15 =	sor.u32 @!p4 $0xD00, s15  }
0x97: {  	[hbm4b:s10+s16] =	stream.linear.scatter @!p4 [tilespmem:s15], [sflag:s13], $0x4000, $0x38;
	[tilespmem:$0x19D00] =	vst v63  }
.LBB2_6:
0x98: {  	_ =	sfence.sel $0x180000  }
0x99: {  	[bflag:$0x0] =	sbarrier.arrive $0xFFFF  }
0x9a: {  	p0 =	sne.s32 s0, $0x0;
	_ =	strace $0x90000047  }
0x9b: {  	s0 =	sadd.s32 @!p0 $0x100000, s2;
	[bflag:$0x2] =	sbarrier.arrive $0xFFFF  }
0x9c: {  	[sflag:s0] =	ssyncadd.tile.s32 @!p0 $0x1;
	_ =	shalt  }
.Lfunc_end2:
_tile_overlayer_lowered:
.L_overlay_start_2:
0x9d: {  	(tag) =	ssettag $0x2  }
0x9e: {  	s0 =	rddreg [dreg:$0x0];
	s2 =	stileid.u32  }
0x9f: {  	s1 =	rddreg [dreg:$0x1];
	p0 =	sne.s32 s2, $0x0  }
0xa0: {  	s3 =	rddreg [dreg:$0x2];
	[bflag:$0x3] =	sbarrier.arrive $0xFFFF;
	s2 =	simm.s32 @!p0 $0x1C0D  }
0xa1: {  	[timem:s3], [sflag:s2] =	dma.local @!p0 [hbm:s0], s1  }
0xa2: {  	s0 =	simm.s32 @!p0 $0xD  }
0xa3: {  	_ =	swait.ge @!p0 [sflag:s0], s1  }
0xa4: {  	s1 =	ssub.s32 @!p0 $0x0, s1;
	[sflag:s0] =	ssyncset.done @!p0 $0x0  }
0xa5: {  	[sflag:s0] =	ssyncadd.s32 @!p0 s1  }
0xa6: {  	[bflag:$0x3] =	sbarrier.arrive $0xFFFF  }
0xa7: {  	_ =	shalt  }

</sc_bundles>
